<compile_context>
chip_gen: v7x
topology: tpu7x:2x2x1
jax: 0.10.2.dev20260603
libtpu: 0.0.44.dev20260713+nightly
codegen_flags: <defaults>
</compile_context>

<pallas_src>
import functools

import jax
import jax.numpy as jnp
from jax import lax
from jax.experimental import pallas as pl
from jax.experimental.pallas import tpu as pltpu
from jax.experimental.pallas import tpu_sc as plsc

S_N = 2048
A_N = 16
R_N = 2
B_SZ = 4096
N_T = 204800

NC = 2
NS = 16
NW = NC * NS
PER_W = N_T // NW
CH = 128
NCH = PER_W // CH

BLK_S = 32


def _tables_body(sa_ref, a_ref, r_ref, c_ref, w_ref):
    x = sa_ref[...]
    m = jnp.max(x, axis=-1)
    e = jnp.exp(x - m[:, :, None])
    lse_sa = m + jnp.log(jnp.sum(e, axis=-1))

    av = a_ref[...]
    am = jnp.max(av, axis=-1, keepdims=True)
    lse_a = am + jnp.log(jnp.sum(jnp.exp(av - am), axis=-1, keepdims=True))
    rv = r_ref[...]
    rm = jnp.max(rv, axis=-1, keepdims=True)
    lse_r = rm + jnp.log(jnp.sum(jnp.exp(rv - rm), axis=-1, keepdims=True))

    base_a = av - lse_a
    br0 = rv[:, 0:1] - lse_r
    br1 = rv[:, 1:2] - lse_r
    c_ref[...] = jnp.concatenate(
        [base_a + br0 - lse_sa,
         base_a + br0,
         base_a + br1 - lse_sa,
         base_a + br1,
         jnp.zeros((BLK_S, 64), jnp.float32)],
        axis=-1)

    t = lax.bitcast_convert_type(x, jnp.int32)
    words = (((t[:, :, 1024:] + 32768) & (-65536))
             | (((t[:, :, :1024] + 32768) >> 16) & 65535))
    rows = words.reshape(BLK_S * A_N, 1024)
    for tc in range(8):
        w_ref[:, tc, :, :] = rows[:, tc * 128:(tc + 1) * 128].reshape(
            BLK_S * A_N // 8, 8, 128)


def _build_tables(params_s_sa, params_a_s, params_r_s):
    grid = (S_N // BLK_S,)
    return pl.pallas_call(
        _tables_body,
        grid=grid,
        in_specs=[
            pl.BlockSpec((BLK_S, A_N, S_N), lambda i: (i, 0, 0)),
            pl.BlockSpec((BLK_S, A_N), lambda i: (i, 0)),
            pl.BlockSpec((BLK_S, R_N), lambda i: (i, 0)),
        ],
        out_specs=[
            pl.BlockSpec((BLK_S, 128), lambda i: (i, 0)),
            pl.BlockSpec((BLK_S * A_N // 8, 8, 8, 128), lambda i: (i, 0, 0, 0)),
        ],
        out_shape=[
            jax.ShapeDtypeStruct((S_N, 128), jnp.float32),
            jax.ShapeDtypeStruct((S_N * A_N // 8, 8, 8, 128), jnp.int32),
        ],
    )(params_s_sa, params_a_s, params_r_s)


def _sc_body(ctab_hbm, w_hbm, s_hbm, a_hbm, r_hbm, d_hbm, sn_hbm, out_hbm,
             s_v, a_v, r_v, d_v, sn_v, idx1_v, idx2_v, val1_v, val2_v,
             acc_v, sem1, sem2):
    wid = lax.axis_index("sub") * NC + lax.axis_index("core")
    base = wid * PER_W

    pltpu.sync_copy(s_hbm.at[pl.ds(base, PER_W)], s_v)
    pltpu.sync_copy(a_hbm.at[pl.ds(base, PER_W)], a_v)
    pltpu.sync_copy(r_hbm.at[pl.ds(base, PER_W)], r_v)
    pltpu.sync_copy(d_hbm.at[pl.ds(base, PER_W)], d_v)
    pltpu.sync_copy(sn_hbm.at[pl.ds(base, PER_W)], sn_v)

    def idx_body(i, _):
        off = i * 16
        sv = s_v[pl.ds(off, 16)]
        avv = a_v[pl.ds(off, 16)]
        rvv = r_v[pl.ds(off, 16)]
        dv = d_v[pl.ds(off, 16)]
        snv = sn_v[pl.ds(off, 16)]
        r2 = sv * 16 + avv
        cw = snv & 1023
        idx1_v[pl.ds(off, 16)] = (sv << 7) | ((rvv * 2 + dv) << 4) | avv
        idx2_v[pl.ds(off, 16)] = (((r2 >> 3) << 13) | ((cw >> 7) << 10)
                                  | ((r2 & 7) << 7) | (cw & 127))
        return 0
    lax.fori_loop(0, PER_W // 16, idx_body, 0)

    def fire_body(j, _):
        off = j * CH
        pltpu.async_copy(ctab_hbm.at[idx1_v.at[pl.ds(off, CH)]],
                         val1_v.at[pl.ds(off, CH)], sem1)
        pltpu.async_copy(w_hbm.at[idx2_v.at[pl.ds(off, CH)]],
                         val2_v.at[pl.ds(off, CH)], sem2)
        return 0
    lax.fori_loop(0, NCH, fire_body, 0)

    pltpu.make_async_copy(ctab_hbm.at[pl.ds(0, PER_W)], val1_v, sem1).wait()
    pltpu.make_async_copy(w_hbm.at[pl.ds(0, PER_W)], val2_v, sem2).wait()

    def acc_body(i, acc):
        off = i * 16
        dv = d_v[pl.ds(off, 16)]
        snv = sn_v[pl.ds(off, 16)]
        wv = val2_v[pl.ds(off, 16)]
        v1 = val1_v[pl.ds(off, 16)]
        sel = snv >> 10
        bits = jnp.where(sel == 0, wv << 16, wv & (-65536))
        v2 = lax.bitcast_convert_type(bits, jnp.float32)
        return acc + v1 + jnp.where(dv == 0, v2, 0.0)
    acc = lax.fori_loop(0, PER_W // 16, acc_body,
                        jnp.zeros((16,), jnp.float32))
    acc_v[...] = acc
    pltpu.sync_copy(acc_v, out_hbm.at[wid])


_SC_CACHE = {}


def _make_sc_gather():
    if "k" not in _SC_CACHE:
        _SC_CACHE["k"] = functools.partial(
            pl.kernel,
            out_type=jax.ShapeDtypeStruct((NW, 16), jnp.float32),
            mesh=plsc.VectorSubcoreMesh(core_axis_name="core",
                                        subcore_axis_name="sub",
                                        num_cores=NC, num_subcores=NS),
            scratch_types=[
                pltpu.VMEM((PER_W,), jnp.int32),
                pltpu.VMEM((PER_W,), jnp.int32),
                pltpu.VMEM((PER_W,), jnp.int32),
                pltpu.VMEM((PER_W,), jnp.int32),
                pltpu.VMEM((PER_W,), jnp.int32),
                pltpu.VMEM((PER_W,), jnp.int32),
                pltpu.VMEM((PER_W,), jnp.int32),
                pltpu.VMEM((PER_W,), jnp.float32),
                pltpu.VMEM((PER_W,), jnp.int32),
                pltpu.VMEM((16,), jnp.float32),
                pltpu.SemaphoreType.DMA,
                pltpu.SemaphoreType.DMA,
            ],
            name="nll_gather_sc",
        )(_sc_body)
    return _SC_CACHE["k"]


def kernel(params_s, params_s_sa, params_o_s, params_r_s, params_a_s,
           regime, s, a, r_cat, d, s_next):
    ctab, wtab = _build_tables(params_s_sa, params_a_s, params_r_s)
    ctab_flat = ctab.reshape(-1)
    w_flat = wtab.reshape(-1)
    partials = _make_sc_gather()(ctab_flat, w_flat, s, a, r_cat, d, s_next)
    return -jnp.sum(partials) / B_SZ

# --- scband reference (transcript-rebuilt; emitter-appended) ---
"""Pipeline reference for scband-tabular-augmented-model-38774964748597 (READ-ONLY COPY).

The authoritative reference and input builder live on the scoring server;
editing this copy changes nothing except your own understanding.
"""

import jax, jax.numpy as jnp
import numpy as np

S_NVALS = 2048
A_NVALS = 16
O_NVALS = 16
R_NVALS = 2
B = 4096
N = 204800


def setup_inputs(seed: int = 0) -> dict:
    key = jax.random.key(seed)
    ks = jax.random.split(key, 11)
    return {
        "params_s": jax.random.normal(ks[0], (S_NVALS,), dtype=jnp.float32),
        "params_s_sa": jax.random.normal(ks[1], (S_NVALS, A_NVALS, S_NVALS), dtype=jnp.float32),
        "params_o_s": jax.random.normal(ks[2], (S_NVALS, O_NVALS), dtype=jnp.float32),
        "params_r_s": jax.random.normal(ks[3], (S_NVALS, R_NVALS), dtype=jnp.float32),
        "params_a_s": jax.random.normal(ks[4], (S_NVALS, A_NVALS), dtype=jnp.float32),
        "regime": jax.random.randint(ks[5], (B,), 0, 2, dtype=jnp.int32),
        "s": jax.random.randint(ks[6], (N,), 0, S_NVALS, dtype=jnp.int32),
        "a": jax.random.randint(ks[7], (N,), 0, A_NVALS, dtype=jnp.int32),
        "r_cat": jax.random.randint(ks[8], (N,), 0, R_NVALS, dtype=jnp.int32),
        "d": jax.random.randint(ks[9], (N,), 0, 2, dtype=jnp.int32),
        "s_next": jax.random.randint(ks[10], (N,), 0, S_NVALS, dtype=jnp.int32),
    }


def reference(params_s, params_s_sa, params_o_s, params_r_s, params_a_s, regime, s, a, r_cat, d, s_next):
    # log_q_* tables (computed once, vectorized version of the per-transition torch loop)
    log_q_snext_sa = jax.nn.log_softmax(params_s_sa, axis=-1)  # [S, A, S]
    log_q_r_s = jax.nn.log_softmax(params_r_s, axis=-1)        # [S, R]
    log_q_a_s = jax.nn.log_softmax(params_a_s, axis=-1)        # [S, A]

    # Gather per-transition log-probabilities (embedding-style lookups)
    lp_a = log_q_a_s[s, a]
    lp_r = log_q_r_s[s, r_cat]
    lp_next = log_q_snext_sa[s, a, s_next]
    # If done, the next-state term is 0 (matches `if not d` branch)
    lp_next = jnp.where(d.astype(bool), jnp.zeros_like(lp_next), lp_next)

    log_prob = lp_a + lp_r + lp_next  # log_p_o_s term is 0 in the original
    batch_size = regime.shape[0]
    total_loss = jnp.sum(-log_prob) / batch_size
    return total_loss

if __name__ == "__main__":
    import jax
    _d = setup_inputs()
    print(jax.jit(kernel)(*tuple(_d.values())))

</pallas_src>

<mosaic_0001>
#map = affine_map<(d0, d1) -> (0)>
#map1 = affine_map<(d0, d1) -> (0, 0)>
module attributes {stable_mosaic.version = 14 : i64} {
  func.func @nll_gather_sc(%arg0: i32, %arg1: i32, %arg2: memref<262144xf32, #tpu.memory_space<hbm>>, %arg3: memref<33554432xi32, #tpu.memory_space<hbm>>, %arg4: memref<204800xi32, #tpu.memory_space<hbm>>, %arg5: memref<204800xi32, #tpu.memory_space<hbm>>, %arg6: memref<204800xi32, #tpu.memory_space<hbm>>, %arg7: memref<204800xi32, #tpu.memory_space<hbm>>, %arg8: memref<204800xi32, #tpu.memory_space<hbm>>, %arg9: memref<32x16xf32, #tpu.memory_space<hbm>>, %arg10: memref<6400xi32, #tpu.memory_space<vmem>>, %arg11: memref<6400xi32, #tpu.memory_space<vmem>>, %arg12: memref<6400xi32, #tpu.memory_space<vmem>>, %arg13: memref<6400xi32, #tpu.memory_space<vmem>>, %arg14: memref<6400xi32, #tpu.memory_space<vmem>>, %arg15: memref<6400xi32, #tpu.memory_space<vmem>>, %arg16: memref<6400xi32, #tpu.memory_space<vmem>>, %arg17: memref<6400xf32, #tpu.memory_space<vmem>>, %arg18: memref<6400xi32, #tpu.memory_space<vmem>>, %arg19: memref<16xf32, #tpu.memory_space<vmem>>, %arg20: memref<!tpu.dma_semaphore, #tpu.memory_space<semaphore_mem>>, %arg21: memref<!tpu.dma_semaphore, #tpu.memory_space<semaphore_mem>>) attributes {dimension_semantics = [#tpu.dimension_semantics<core_parallel>, #tpu.dimension_semantics<subcore_parallel>], iteration_bounds = array<i64: 2, 16>, scalar_prefetch = 0 : i64, scratch_operands = 12 : i64, tpu.core_type = #tpu.core_type<sc_vector_subcore>, window_params = [{transform_indices = #map}, {transform_indices = #map}, {transform_indices = #map}, {transform_indices = #map}, {transform_indices = #map}, {transform_indices = #map}, {transform_indices = #map}, {transform_indices = #map1}]} {
    %mul3A = arith.constant 2 : i32
    %mul3A_0 = arith.muli %arg1, %mul3A : i32
    %add3A = arith.addi %mul3A_0, %arg0 : i32
    %mul3A_1 = arith.constant 6400 : i32
    %mul3A_2 = arith.muli %add3A, %mul3A_1 : i32
    "tpu.region"() ({
      %run_scoped3A = tpu.sem_alloc : memref<!tpu.dma_semaphore, #tpu.memory_space<semaphore_mem>>
      %dma_start3A = tpu.memref_slice %arg4[%mul3A_2] : memref<204800xi32, #tpu.memory_space<hbm>> -> memref<6400xi32, #tpu.memory_space<hbm>>
      %dma_start3A_33 = tpu.memref_slice %arg4[%mul3A_2] : memref<204800xi32, #tpu.memory_space<hbm>> -> memref<6400xi32, #tpu.memory_space<hbm>>
      tpu.enqueue_dma source(%dma_start3A_33 : memref<6400xi32, #tpu.memory_space<hbm>>) target(%arg10 : memref<6400xi32, #tpu.memory_space<vmem>>) target_semaphore(%run_scoped3A : memref<!tpu.dma_semaphore, #tpu.memory_space<semaphore_mem>>)
      %dma_wait3A_34 = tpu.memref_slice %arg4[%mul3A_2] : memref<204800xi32, #tpu.memory_space<hbm>> -> memref<6400xi32, #tpu.memory_space<hbm>>
      %dma_wait3A_35 = tpu.memref_slice %arg4[%mul3A_2] : memref<204800xi32, #tpu.memory_space<hbm>> -> memref<6400xi32, #tpu.memory_space<hbm>>
      tpu.wait_dma2 semaphore(%run_scoped3A : memref<!tpu.dma_semaphore, #tpu.memory_space<semaphore_mem>>) src(%dma_wait3A_35 : memref<6400xi32, #tpu.memory_space<hbm>>) dst(%arg10 : memref<6400xi32, #tpu.memory_space<vmem>>)
      tpu.yield
    }) : () -> ()
    "tpu.region"() ({
      %run_scoped3A = tpu.sem_alloc : memref<!tpu.dma_semaphore, #tpu.memory_space<semaphore_mem>>
      %dma_start3A = tpu.memref_slice %arg5[%mul3A_2] : memref<204800xi32, #tpu.memory_space<hbm>> -> memref<6400xi32, #tpu.memory_space<hbm>>
      %dma_start3A_33 = tpu.memref_slice %arg5[%mul3A_2] : memref<204800xi32, #tpu.memory_space<hbm>> -> memref<6400xi32, #tpu.memory_space<hbm>>
      tpu.enqueue_dma source(%dma_start3A_33 : memref<6400xi32, #tpu.memory_space<hbm>>) target(%arg11 : memref<6400xi32, #tpu.memory_space<vmem>>) target_semaphore(%run_scoped3A : memref<!tpu.dma_semaphore, #tpu.memory_space<semaphore_mem>>)
      %dma_wait3A_34 = tpu.memref_slice %arg5[%mul3A_2] : memref<204800xi32, #tpu.memory_space<hbm>> -> memref<6400xi32, #tpu.memory_space<hbm>>
      %dma_wait3A_35 = tpu.memref_slice %arg5[%mul3A_2] : memref<204800xi32, #tpu.memory_space<hbm>> -> memref<6400xi32, #tpu.memory_space<hbm>>
      tpu.wait_dma2 semaphore(%run_scoped3A : memref<!tpu.dma_semaphore, #tpu.memory_space<semaphore_mem>>) src(%dma_wait3A_35 : memref<6400xi32, #tpu.memory_space<hbm>>) dst(%arg11 : memref<6400xi32, #tpu.memory_space<vmem>>)
      tpu.yield
    }) : () -> ()
    "tpu.region"() ({
      %run_scoped3A = tpu.sem_alloc : memref<!tpu.dma_semaphore, #tpu.memory_space<semaphore_mem>>
      %dma_start3A = tpu.memref_slice %arg6[%mul3A_2] : memref<204800xi32, #tpu.memory_space<hbm>> -> memref<6400xi32, #tpu.memory_space<hbm>>
      %dma_start3A_33 = tpu.memref_slice %arg6[%mul3A_2] : memref<204800xi32, #tpu.memory_space<hbm>> -> memref<6400xi32, #tpu.memory_space<hbm>>
      tpu.enqueue_dma source(%dma_start3A_33 : memref<6400xi32, #tpu.memory_space<hbm>>) target(%arg12 : memref<6400xi32, #tpu.memory_space<vmem>>) target_semaphore(%run_scoped3A : memref<!tpu.dma_semaphore, #tpu.memory_space<semaphore_mem>>)
      %dma_wait3A_34 = tpu.memref_slice %arg6[%mul3A_2] : memref<204800xi32, #tpu.memory_space<hbm>> -> memref<6400xi32, #tpu.memory_space<hbm>>
      %dma_wait3A_35 = tpu.memref_slice %arg6[%mul3A_2] : memref<204800xi32, #tpu.memory_space<hbm>> -> memref<6400xi32, #tpu.memory_space<hbm>>
      tpu.wait_dma2 semaphore(%run_scoped3A : memref<!tpu.dma_semaphore, #tpu.memory_space<semaphore_mem>>) src(%dma_wait3A_35 : memref<6400xi32, #tpu.memory_space<hbm>>) dst(%arg12 : memref<6400xi32, #tpu.memory_space<vmem>>)
      tpu.yield
    }) : () -> ()
    "tpu.region"() ({
      %run_scoped3A = tpu.sem_alloc : memref<!tpu.dma_semaphore, #tpu.memory_space<semaphore_mem>>
      %dma_start3A = tpu.memref_slice %arg7[%mul3A_2] : memref<204800xi32, #tpu.memory_space<hbm>> -> memref<6400xi32, #tpu.memory_space<hbm>>
      %dma_start3A_33 = tpu.memref_slice %arg7[%mul3A_2] : memref<204800xi32, #tpu.memory_space<hbm>> -> memref<6400xi32, #tpu.memory_space<hbm>>
      tpu.enqueue_dma source(%dma_start3A_33 : memref<6400xi32, #tpu.memory_space<hbm>>) target(%arg13 : memref<6400xi32, #tpu.memory_space<vmem>>) target_semaphore(%run_scoped3A : memref<!tpu.dma_semaphore, #tpu.memory_space<semaphore_mem>>)
      %dma_wait3A_34 = tpu.memref_slice %arg7[%mul3A_2] : memref<204800xi32, #tpu.memory_space<hbm>> -> memref<6400xi32, #tpu.memory_space<hbm>>
      %dma_wait3A_35 = tpu.memref_slice %arg7[%mul3A_2] : memref<204800xi32, #tpu.memory_space<hbm>> -> memref<6400xi32, #tpu.memory_space<hbm>>
      tpu.wait_dma2 semaphore(%run_scoped3A : memref<!tpu.dma_semaphore, #tpu.memory_space<semaphore_mem>>) src(%dma_wait3A_35 : memref<6400xi32, #tpu.memory_space<hbm>>) dst(%arg13 : memref<6400xi32, #tpu.memory_space<vmem>>)
      tpu.yield
    }) : () -> ()
    "tpu.region"() ({
      %run_scoped3A = tpu.sem_alloc : memref<!tpu.dma_semaphore, #tpu.memory_space<semaphore_mem>>
      %dma_start3A = tpu.memref_slice %arg8[%mul3A_2] : memref<204800xi32, #tpu.memory_space<hbm>> -> memref<6400xi32, #tpu.memory_space<hbm>>
      %dma_start3A_33 = tpu.memref_slice %arg8[%mul3A_2] : memref<204800xi32, #tpu.memory_space<hbm>> -> memref<6400xi32, #tpu.memory_space<hbm>>
      tpu.enqueue_dma source(%dma_start3A_33 : memref<6400xi32, #tpu.memory_space<hbm>>) target(%arg14 : memref<6400xi32, #tpu.memory_space<vmem>>) target_semaphore(%run_scoped3A : memref<!tpu.dma_semaphore, #tpu.memory_space<semaphore_mem>>)
      %dma_wait3A_34 = tpu.memref_slice %arg8[%mul3A_2] : memref<204800xi32, #tpu.memory_space<hbm>> -> memref<6400xi32, #tpu.memory_space<hbm>>
      %dma_wait3A_35 = tpu.memref_slice %arg8[%mul3A_2] : memref<204800xi32, #tpu.memory_space<hbm>> -> memref<6400xi32, #tpu.memory_space<hbm>>
      tpu.wait_dma2 semaphore(%run_scoped3A : memref<!tpu.dma_semaphore, #tpu.memory_space<semaphore_mem>>) src(%dma_wait3A_35 : memref<6400xi32, #tpu.memory_space<hbm>>) dst(%arg14 : memref<6400xi32, #tpu.memory_space<vmem>>)
      tpu.yield
    }) : () -> ()
    %scan3A = arith.constant 0 : i32
    %scan3A_3 = arith.constant 0 : i32
    %scan3A_4 = arith.constant 400 : i32
    %scan3A_5 = arith.addi %scan3A_3, %scan3A_4 : i32
    %scan3A_6 = arith.constant 1 : i32
    %scan3A_7 = scf.for %scan3A_33 = %scan3A_3 to %scan3A_5 step %scan3A_6 iter_args(%scan3A_34 = %scan3A) -> (i32)  : i32 {
      %mul3A_35 = arith.constant 16 : i32
      %mul3A_36 = arith.muli %scan3A_33, %mul3A_35 : i32
      %get3A = arith.index_cast %mul3A_36 : i32 to index
      %get3A_37 = tpu.vector_load %arg10[%get3A] {strides = array<i32>} : memref<6400xi32, #tpu.memory_space<vmem>>, vector<16xi32>,
      %get3A_38 = vector.shape_cast %get3A_37 : vector<16xi32> to vector<16xi32>
      %get3A_39 = arith.index_cast %mul3A_36 : i32 to index
      %get3A_40 = tpu.vector_load %arg11[%get3A_39] {strides = array<i32>} : memref<6400xi32, #tpu.memory_space<vmem>>, vector<16xi32>,
      %get3A_41 = vector.shape_cast %get3A_40 : vector<16xi32> to vector<16xi32>
      %get3A_42 = arith.index_cast %mul3A_36 : i32 to index
      %get3A_43 = tpu.vector_load %arg12[%get3A_42] {strides = array<i32>} : memref<6400xi32, #tpu.memory_space<vmem>>, vector<16xi32>,
      %get3A_44 = vector.shape_cast %get3A_43 : vector<16xi32> to vector<16xi32>
      %get3A_45 = arith.index_cast %mul3A_36 : i32 to index
      %get3A_46 = tpu.vector_load %arg13[%get3A_45] {strides = array<i32>} : memref<6400xi32, #tpu.memory_space<vmem>>, vector<16xi32>,
      %get3A_47 = vector.shape_cast %get3A_46 : vector<16xi32> to vector<16xi32>
      %get3A_48 = arith.index_cast %mul3A_36 : i32 to index
      %get3A_49 = tpu.vector_load %arg14[%get3A_48] {strides = array<i32>} : memref<6400xi32, #tpu.memory_space<vmem>>, vector<16xi32>,
      %get3A_50 = vector.shape_cast %get3A_49 : vector<16xi32> to vector<16xi32>
      %mul3A_51 = arith.constant 16 : i32
      %mul3A_52 = vector.broadcast %mul3A_51 : i32 to vector<16xi32>
      %mul3A_53 = arith.muli %get3A_38, %mul3A_52 : vector<16xi32>
      %add3A_54 = arith.addi %mul3A_53, %get3A_41 : vector<16xi32>
      %and3A = arith.constant 1023 : i32
      %and3A_55 = vector.broadcast %and3A : i32 to vector<16xi32>
      %and3A_56 = arith.andi %get3A_50, %and3A_55 : vector<16xi32>
      %shift_left3A = arith.constant 7 : i32
      %shift_left3A_57 = vector.broadcast %shift_left3A : i32 to vector<16xi32>
      %shift_left3A_58 = arith.shli %get3A_38, %shift_left3A_57 : vector<16xi32>
      %mul3A_59 = arith.constant 2 : i32
      %mul3A_60 = vector.broadcast %mul3A_59 : i32 to vector<16xi32>
      %mul3A_61 = arith.muli %get3A_44, %mul3A_60 : vector<16xi32>
      %add3A_62 = arith.addi %mul3A_61, %get3A_47 : vector<16xi32>
      %shift_left3A_63 = arith.constant 4 : i32
      %shift_left3A_64 = vector.broadcast %shift_left3A_63 : i32 to vector<16xi32>
      %shift_left3A_65 = arith.shli %add3A_62, %shift_left3A_64 : vector<16xi32>
      %or3A = arith.ori %shift_left3A_58, %shift_left3A_65 : vector<16xi32>
      %or3A_66 = arith.ori %or3A, %get3A_41 : vector<16xi32>
      %swap3A_67 = arith.index_cast %mul3A_36 : i32 to index
      %swap3A_68 = tpu.vector_load %arg15[%swap3A_67] {strides = array<i32>} : memref<6400xi32, #tpu.memory_space<vmem>>, vector<16xi32>,
      %swap3A_69 = vector.shape_cast %swap3A_68 : vector<16xi32> to vector<16xi32>
      %swap3A_70 = vector.shape_cast %or3A_66 : vector<16xi32> to vector<16xi32>
      tpu.vector_store %arg15[%swap3A_67], %swap3A_70 {strides = array<i32>} : memref<6400xi32, #tpu.memory_space<vmem>>, vector<16xi32>,
      %shift_right_arithmetic3A = arith.constant 3 : i32
      %shift_right_arithmetic3A_71 = vector.broadcast %shift_right_arithmetic3A : i32 to vector<16xi32>
      %shift_right_arithmetic3A_72 = arith.shrsi %add3A_54, %shift_right_arithmetic3A_71 : vector<16xi32>
      %shift_left3A_73 = arith.constant 13 : i32
      %shift_left3A_74 = vector.broadcast %shift_left3A_73 : i32 to vector<16xi32>
      %shift_left3A_75 = arith.shli %shift_right_arithmetic3A_72, %shift_left3A_74 : vector<16xi32>
      %shift_right_arithmetic3A_76 = arith.constant 7 : i32
      %shift_right_arithmetic3A_77 = vector.broadcast %shift_right_arithmetic3A_76 : i32 to vector<16xi32>
      %shift_right_arithmetic3A_78 = arith.shrsi %and3A_56, %shift_right_arithmetic3A_77 : vector<16xi32>
      %shift_left3A_79 = arith.constant 10 : i32
      %shift_left3A_80 = vector.broadcast %shift_left3A_79 : i32 to vector<16xi32>
      %shift_left3A_81 = arith.shli %shift_right_arithmetic3A_78, %shift_left3A_80 : vector<16xi32>
      %or3A_82 = arith.ori %shift_left3A_75, %shift_left3A_81 : vector<16xi32>
      %and3A_83 = arith.constant 7 : i32
      %and3A_84 = vector.broadcast %and3A_83 : i32 to vector<16xi32>
      %and3A_85 = arith.andi %add3A_54, %and3A_84 : vector<16xi32>
      %shift_left3A_86 = arith.constant 7 : i32
      %shift_left3A_87 = vector.broadcast %shift_left3A_86 : i32 to vector<16xi32>
      %shift_left3A_88 = arith.shli %and3A_85, %shift_left3A_87 : vector<16xi32>
      %or3A_89 = arith.ori %or3A_82, %shift_left3A_88 : vector<16xi32>
      %and3A_90 = arith.constant 127 : i32
      %and3A_91 = vector.broadcast %and3A_90 : i32 to vector<16xi32>
      %and3A_92 = arith.andi %and3A_56, %and3A_91 : vector<16xi32>
      %or3A_93 = arith.ori %or3A_89, %and3A_92 : vector<16xi32>
      %swap3A_94 = arith.index_cast %mul3A_36 : i32 to index
      %swap3A_95 = tpu.vector_load %arg16[%swap3A_94] {strides = array<i32>} : memref<6400xi32, #tpu.memory_space<vmem>>, vector<16xi32>,
      %swap3A_96 = vector.shape_cast %swap3A_95 : vector<16xi32> to vector<16xi32>
      %swap3A_97 = vector.shape_cast %or3A_93 : vector<16xi32> to vector<16xi32>
      tpu.vector_store %arg16[%swap3A_94], %swap3A_97 {strides = array<i32>} : memref<6400xi32, #tpu.memory_space<vmem>>, vector<16xi32>,
      %scan3A_98 = arith.constant 0 : i32
      scf.yield %scan3A_98 : i32
    }
    %scan3A_8 = arith.constant 400 : i32
    %scan3A_9 = arith.constant 0 : i32
    %scan3A_10 = arith.constant 0 : i32
    %scan3A_11 = arith.constant 50 : i32
    %scan3A_12 = arith.addi %scan3A_10, %scan3A_11 : i32
    %scan3A_13 = arith.constant 1 : i32
    %scan3A_14 = scf.for %scan3A_33 = %scan3A_10 to %scan3A_12 step %scan3A_13 iter_args(%scan3A_34 = %scan3A_9) -> (i32)  : i32 {
      %mul3A_35 = arith.constant 128 : i32
      %mul3A_36 = arith.muli %scan3A_33, %mul3A_35 : i32
      %dma_start3A = tpu.memref_slice %arg17[%mul3A_36] : memref<6400xf32, #tpu.memory_space<vmem>> -> memref<128xf32, #tpu.memory_space<vmem>>
      %dma_start3A_37 = tpu.memref_slice %arg15[%mul3A_36] : memref<6400xi32, #tpu.memory_space<vmem>> -> memref<128xi32, #tpu.memory_space<vmem>>
      %dma_start3A_38 = arith.constant 0 : i32
      %dma_start3A_39 = tpu.memref_slice %arg2[%dma_start3A_38] : memref<262144xf32, #tpu.memory_space<hbm>> -> memref<262144xf32, #tpu.memory_space<hbm>>
      tpu.enqueue_indirect_dma source(%dma_start3A_39 : memref<262144xf32, #tpu.memory_space<hbm>>) target(%dma_start3A : memref<128xf32, #tpu.memory_space<vmem>>) offsets(%dma_start3A_37 : memref<128xi32, #tpu.memory_space<vmem>>) semaphore(%arg20 : memref<!tpu.dma_semaphore, #tpu.memory_space<semaphore_mem>>)
      %dma_start3A_40 = tpu.memref_slice %arg18[%mul3A_36] : memref<6400xi32, #tpu.memory_space<vmem>> -> memref<128xi32, #tpu.memory_space<vmem>>
      %dma_start3A_41 = tpu.memref_slice %arg16[%mul3A_36] : memref<6400xi32, #tpu.memory_space<vmem>> -> memref<128xi32, #tpu.memory_space<vmem>>
      %dma_start3A_42 = arith.constant 0 : i32
      %dma_start3A_43 = tpu.memref_slice %arg3[%dma_start3A_42] : memref<33554432xi32, #tpu.memory_space<hbm>> -> memref<33554432xi32, #tpu.memory_space<hbm>>
      tpu.enqueue_indirect_dma source(%dma_start3A_43 : memref<33554432xi32, #tpu.memory_space<hbm>>) target(%dma_start3A_40 : memref<128xi32, #tpu.memory_space<vmem>>) offsets(%dma_start3A_41 : memref<128xi32, #tpu.memory_space<vmem>>) semaphore(%arg21 : memref<!tpu.dma_semaphore, #tpu.memory_space<semaphore_mem>>)
      %scan3A_44 = arith.constant 0 : i32
      scf.yield %scan3A_44 : i32
    }
    %scan3A_15 = arith.constant 50 : i32
    %dma_wait3A = arith.constant 0 : i32
    %dma_wait3A_16 = tpu.memref_slice %arg2[%dma_wait3A] : memref<262144xf32, #tpu.memory_space<hbm>> -> memref<6400xf32, #tpu.memory_space<hbm>>
    %dma_wait3A_17 = arith.constant 0 : i32
    %dma_wait3A_18 = tpu.memref_slice %arg2[%dma_wait3A_17] : memref<262144xf32, #tpu.memory_space<hbm>> -> memref<6400xf32, #tpu.memory_space<hbm>>
    tpu.wait_dma2 semaphore(%arg20 : memref<!tpu.dma_semaphore, #tpu.memory_space<semaphore_mem>>) src(%dma_wait3A_18 : memref<6400xf32, #tpu.memory_space<hbm>>) dst(%arg17 : memref<6400xf32, #tpu.memory_space<vmem>>)
    %dma_wait3A_19 = arith.constant 0 : i32
    %dma_wait3A_20 = tpu.memref_slice %arg3[%dma_wait3A_19] : memref<33554432xi32, #tpu.memory_space<hbm>> -> memref<6400xi32, #tpu.memory_space<hbm>>
    %dma_wait3A_21 = arith.constant 0 : i32
    %dma_wait3A_22 = tpu.memref_slice %arg3[%dma_wait3A_21] : memref<33554432xi32, #tpu.memory_space<hbm>> -> memref<6400xi32, #tpu.memory_space<hbm>>
    tpu.wait_dma2 semaphore(%arg21 : memref<!tpu.dma_semaphore, #tpu.memory_space<semaphore_mem>>) src(%dma_wait3A_22 : memref<6400xi32, #tpu.memory_space<hbm>>) dst(%arg18 : memref<6400xi32, #tpu.memory_space<vmem>>)
    %broadcast_in_dim3A = arith.constant 0.000000e+00 : f32
    %broadcast_in_dim3A_23 = vector.broadcast %broadcast_in_dim3A : f32 to vector<16xf32>
    %scan3A_24 = arith.constant 0 : i32
    %scan3A_25 = arith.constant 400 : i32
    %scan3A_26 = arith.addi %scan3A_24, %scan3A_25 : i32
    %scan3A_27 = arith.constant 1 : i32
    %scan3A_28 = scf.for %scan3A_33 = %scan3A_24 to %scan3A_26 step %scan3A_27 iter_args(%scan3A_34 = %broadcast_in_dim3A_23) -> (vector<16xf32>)  : i32 {
      %mul3A_35 = arith.constant 16 : i32
      %mul3A_36 = arith.muli %scan3A_33, %mul3A_35 : i32
      %get3A = arith.index_cast %mul3A_36 : i32 to index
      %get3A_37 = tpu.vector_load %arg13[%get3A] {strides = array<i32>} : memref<6400xi32, #tpu.memory_space<vmem>>, vector<16xi32>,
      %get3A_38 = vector.shape_cast %get3A_37 : vector<16xi32> to vector<16xi32>
      %get3A_39 = arith.index_cast %mul3A_36 : i32 to index
      %get3A_40 = tpu.vector_load %arg14[%get3A_39] {strides = array<i32>} : memref<6400xi32, #tpu.memory_space<vmem>>, vector<16xi32>,
      %get3A_41 = vector.shape_cast %get3A_40 : vector<16xi32> to vector<16xi32>
      %get3A_42 = arith.index_cast %mul3A_36 : i32 to index
      %get3A_43 = tpu.vector_load %arg18[%get3A_42] {strides = array<i32>} : memref<6400xi32, #tpu.memory_space<vmem>>, vector<16xi32>,
      %get3A_44 = vector.shape_cast %get3A_43 : vector<16xi32> to vector<16xi32>
      %get3A_45 = arith.index_cast %mul3A_36 : i32 to index
      %get3A_46 = tpu.vector_load %arg17[%get3A_45] {strides = array<i32>} : memref<6400xf32, #tpu.memory_space<vmem>>, vector<16xf32>,
      %get3A_47 = vector.shape_cast %get3A_46 : vector<16xf32> to vector<16xf32>
      %shift_right_arithmetic3A = arith.constant 10 : i32
      %shift_right_arithmetic3A_48 = vector.broadcast %shift_right_arithmetic3A : i32 to vector<16xi32>
      %shift_right_arithmetic3A_49 = arith.shrsi %get3A_41, %shift_right_arithmetic3A_48 : vector<16xi32>
      %eq3A = arith.constant 0 : i32
      %eq3A_50 = vector.broadcast %eq3A : i32 to vector<16xi32>
      %eq3A_51 = arith.cmpi eq, %shift_right_arithmetic3A_49, %eq3A_50 : vector<16xi32>
      %shift_left3A = arith.constant 16 : i32
      %shift_left3A_52 = vector.broadcast %shift_left3A : i32 to vector<16xi32>
      %shift_left3A_53 = arith.shli %get3A_44, %shift_left3A_52 : vector<16xi32>
      %and3A = arith.constant -65536 : i32
      %and3A_54 = vector.broadcast %and3A : i32 to vector<16xi32>
      %and3A_55 = arith.andi %get3A_44, %and3A_54 : vector<16xi32>
      %select_n3A = arith.select %eq3A_51, %shift_left3A_53, %and3A_55 : vector<16xi1>, vector<16xi32>
      %bitcast_convert_type3A = tpu.bitcast %select_n3A : vector<16xi32> -> vector<16xf32>
      %add3A_56 = arith.addf %scan3A_34, %get3A_47 : vector<16xf32>
      %eq3A_57 = arith.constant 0 : i32
      %eq3A_58 = vector.broadcast %eq3A_57 : i32 to vector<16xi32>
      %eq3A_59 = arith.cmpi eq, %get3A_38, %eq3A_58 : vector<16xi32>
      %jit3A = arith.constant 0.000000e+00 : f32
      %broadcast_in_dim3A_60 = vector.broadcast %jit3A : f32 to vector<16xf32>
      %select_n3A_61 = arith.select %eq3A_59, %bitcast_convert_type3A, %broadcast_in_dim3A_60 : vector<16xi1>, vector<16xf32>
      %add3A_62 = arith.addf %add3A_56, %select_n3A_61 : vector<16xf32>
      scf.yield %add3A_62 : vector<16xf32>
    }
    %scan3A_29 = arith.constant 400 : i32
    %swap3A = arith.constant 0 : index
    %swap3A_30 = tpu.vector_load %arg19[%swap3A] {strides = array<i32>} : memref<16xf32, #tpu.memory_space<vmem>>, vector<16xf32>,
    %swap3A_31 = vector.shape_cast %swap3A_30 : vector<16xf32> to vector<16xf32>
    %swap3A_32 = vector.shape_cast %scan3A_28 : vector<16xf32> to vector<16xf32>
    tpu.vector_store %arg19[%swap3A], %swap3A_32 {strides = array<i32>} : memref<16xf32, #tpu.memory_space<vmem>>, vector<16xf32>,
    "tpu.region"() ({
      %run_scoped3A = tpu.sem_alloc : memref<!tpu.dma_semaphore, #tpu.memory_space<semaphore_mem>>
      %dma_start3A = arith.constant 0 : i32
      %dma_start3A_33 = tpu.memref_slice %arg9[%add3A, %dma_start3A] : memref<32x16xf32, #tpu.memory_space<hbm>> -> memref<1x16xf32, #tpu.memory_space<hbm>>
      %dma_start3A_34 = tpu.memref_squeeze %dma_start3A_33 : memref<1x16xf32, #tpu.memory_space<hbm>> -> memref<16xf32, #tpu.memory_space<hbm>>
      %dma_start3A_35 = arith.constant 0 : i32
      %dma_start3A_36 = tpu.memref_slice %arg9[%add3A, %dma_start3A_35] : memref<32x16xf32, #tpu.memory_space<hbm>> -> memref<1x16xf32, #tpu.memory_space<hbm>>
      %dma_start3A_37 = tpu.memref_squeeze %dma_start3A_36 : memref<1x16xf32, #tpu.memory_space<hbm>> -> memref<16xf32, #tpu.memory_space<hbm>>
      tpu.enqueue_dma source(%arg19 : memref<16xf32, #tpu.memory_space<vmem>>) target(%dma_start3A_37 : memref<16xf32, #tpu.memory_space<hbm>>) target_semaphore(%run_scoped3A : memref<!tpu.dma_semaphore, #tpu.memory_space<semaphore_mem>>)
      %dma_wait3A_38 = arith.constant 0 : i32
      %dma_wait3A_39 = tpu.memref_slice %arg9[%add3A, %dma_wait3A_38] : memref<32x16xf32, #tpu.memory_space<hbm>> -> memref<1x16xf32, #tpu.memory_space<hbm>>
      %dma_wait3A_40 = tpu.memref_squeeze %dma_wait3A_39 : memref<1x16xf32, #tpu.memory_space<hbm>> -> memref<16xf32, #tpu.memory_space<hbm>>
      %dma_wait3A_41 = arith.constant 0 : i32
      %dma_wait3A_42 = tpu.memref_slice %arg9[%add3A, %dma_wait3A_41] : memref<32x16xf32, #tpu.memory_space<hbm>> -> memref<1x16xf32, #tpu.memory_space<hbm>>
      %dma_wait3A_43 = tpu.memref_squeeze %dma_wait3A_42 : memref<1x16xf32, #tpu.memory_space<hbm>> -> memref<16xf32, #tpu.memory_space<hbm>>
      tpu.wait_dma2 semaphore(%run_scoped3A : memref<!tpu.dma_semaphore, #tpu.memory_space<semaphore_mem>>) src(%arg19 : memref<16xf32, #tpu.memory_space<vmem>>) dst(%dma_wait3A_43 : memref<16xf32, #tpu.memory_space<hbm>>)
      tpu.yield
    }) : () -> ()
    return
  }
}

module attributes {stable_mosaic.version = 14 : i64} {
  func.func @_tables_body(%arg0: i32, %arg1: memref<32x16x2048xf32, #tpu.memory_space<vmem>>, %arg2: memref<32x16xf32, #tpu.memory_space<vmem>>, %arg3: memref<32x2xf32, #tpu.memory_space<vmem>>, %arg4: memref<32x128xf32, #tpu.memory_space<vmem>>, %arg5: memref<64x8x8x128xi32, #tpu.memory_space<vmem>>) attributes {dimension_semantics = [#tpu.dimension_semantics<arbitrary>], iteration_bounds = array<i64: 64>, scalar_prefetch = 0 : i64, scratch_operands = 0 : i64, tpu.core_type = #tpu.core_type<tc>, window_params = [{transform_indices = @transform_0, window_bounds = array<i64: 32, 16, 2048>}, {transform_indices = @transform_1, window_bounds = array<i64: 32, 16>}, {transform_indices = @transform_2, window_bounds = array<i64: 32, 2>}, {transform_indices = @transform_3, window_bounds = array<i64: 32, 128>}, {transform_indices = @transform_4, window_bounds = array<i64: 64, 8, 8, 128>}]} {
    %get3A = arith.constant 0 : index
    %get3A_0 = arith.constant 0 : index
    %get3A_1 = arith.constant 0 : index
    %get3A_2 = vector.load %arg1[%get3A, %get3A_0, %get3A_1] : memref<32x16x2048xf32, #tpu.memory_space<vmem>>, vector<32x16x2048xf32>
    %reduce_max3A = arith.constant dense<0xFF800000> : vector<32x16xf32>
    %reduce_max3A_3 = vector.multi_reduction <maximumf>, %get3A_2, %reduce_max3A [2] : vector<32x16x2048xf32> to vector<32x16xf32>
    %broadcast_in_dim3A = vector.shape_cast %reduce_max3A_3 : vector<32x16xf32> to vector<32x16x1xf32>
    %sub3A = vector.broadcast %broadcast_in_dim3A : vector<32x16x1xf32> to vector<32x16x2048xf32>
    %sub3A_4 = arith.subf %get3A_2, %sub3A : vector<32x16x2048xf32>
    %exp3A = math.exp %sub3A_4 : vector<32x16x2048xf32>
    %reduce_sum3A = arith.constant dense<0.000000e+00> : vector<32x16xf32>
    %reduce_sum3A_5 = vector.multi_reduction <add>, %exp3A, %reduce_sum3A [2] : vector<32x16x2048xf32> to vector<32x16xf32>
    %log3A = math.log %reduce_sum3A_5 : vector<32x16xf32>
    %add3A = arith.addf %reduce_max3A_3, %log3A : vector<32x16xf32>
    %get3A_6 = arith.constant 0 : index
    %get3A_7 = arith.constant 0 : index
    %get3A_8 = vector.load %arg2[%get3A_6, %get3A_7] : memref<32x16xf32, #tpu.memory_space<vmem>>, vector<32x16xf32>
    %reduce_max3A_9 = arith.constant dense<0xFF800000> : vector<32xf32>
    %reduce_max3A_10 = vector.multi_reduction <maximumf>, %get3A_8, %reduce_max3A_9 [1] : vector<32x16xf32> to vector<32xf32>
    %broadcast_in_dim3A_11 = vector.shape_cast %reduce_max3A_10 : vector<32xf32> to vector<32x1xf32>
    %sub3A_12 = vector.broadcast %broadcast_in_dim3A_11 : vector<32x1xf32> to vector<32x16xf32>
    %sub3A_13 = arith.subf %get3A_8, %sub3A_12 : vector<32x16xf32>
    %exp3A_14 = math.exp %sub3A_13 : vector<32x16xf32>
    %reduce_sum3A_15 = arith.constant dense<0.000000e+00> : vector<32xf32>
    %reduce_sum3A_16 = vector.multi_reduction <add>, %exp3A_14, %reduce_sum3A_15 [1] : vector<32x16xf32> to vector<32xf32>
    %broadcast_in_dim3A_17 = vector.shape_cast %reduce_sum3A_16 : vector<32xf32> to vector<32x1xf32>
    %log3A_18 = math.log %broadcast_in_dim3A_17 : vector<32x1xf32>
    %add3A_19 = arith.addf %broadcast_in_dim3A_11, %log3A_18 : vector<32x1xf32>
    %get3A_20 = arith.constant 0 : index
    %get3A_21 = arith.constant 0 : index
    %get3A_22 = vector.load %arg3[%get3A_20, %get3A_21] : memref<32x2xf32, #tpu.memory_space<vmem>>, vector<32x2xf32>
    %reduce_max3A_23 = arith.constant dense<0xFF800000> : vector<32xf32>
    %reduce_max3A_24 = vector.multi_reduction <maximumf>, %get3A_22, %reduce_max3A_23 [1] : vector<32x2xf32> to vector<32xf32>
    %broadcast_in_dim3A_25 = vector.shape_cast %reduce_max3A_24 : vector<32xf32> to vector<32x1xf32>
    %sub3A_26 = vector.broadcast %broadcast_in_dim3A_25 : vector<32x1xf32> to vector<32x2xf32>
    %sub3A_27 = arith.subf %get3A_22, %sub3A_26 : vector<32x2xf32>
    %exp3A_28 = math.exp %sub3A_27 : vector<32x2xf32>
    %reduce_sum3A_29 = arith.constant dense<0.000000e+00> : vector<32xf32>
    %reduce_sum3A_30 = vector.multi_reduction <add>, %exp3A_28, %reduce_sum3A_29 [1] : vector<32x2xf32> to vector<32xf32>
    %broadcast_in_dim3A_31 = vector.shape_cast %reduce_sum3A_30 : vector<32xf32> to vector<32x1xf32>
    %log3A_32 = math.log %broadcast_in_dim3A_31 : vector<32x1xf32>
    %add3A_33 = arith.addf %broadcast_in_dim3A_25, %log3A_32 : vector<32x1xf32>
    %sub3A_34 = vector.broadcast %add3A_19 : vector<32x1xf32> to vector<32x16xf32>
    %sub3A_35 = arith.subf %get3A_8, %sub3A_34 : vector<32x16xf32>
    %slice3A = vector.extract_strided_slice %get3A_22 {offsets = [0, 0], sizes = [32, 1], strides = [1, 1]} : vector<32x2xf32> to vector<32x1xf32>
    %sub3A_36 = arith.subf %slice3A, %add3A_33 : vector<32x1xf32>
    %slice3A_37 = vector.extract_strided_slice %get3A_22 {offsets = [0, 1], sizes = [32, 1], strides = [1, 1]} : vector<32x2xf32> to vector<32x1xf32>
    %sub3A_38 = arith.subf %slice3A_37, %add3A_33 : vector<32x1xf32>
    %add3A_39 = vector.broadcast %sub3A_36 : vector<32x1xf32> to vector<32x16xf32>
    %add3A_40 = arith.addf %sub3A_35, %add3A_39 : vector<32x16xf32>
    %sub3A_41 = arith.subf %add3A_40, %add3A : vector<32x16xf32>
    %add3A_42 = vector.broadcast %sub3A_36 : vector<32x1xf32> to vector<32x16xf32>
    %add3A_43 = arith.addf %sub3A_35, %add3A_42 : vector<32x16xf32>
    %add3A_44 = vector.broadcast %sub3A_38 : vector<32x1xf32> to vector<32x16xf32>
    %add3A_45 = arith.addf %sub3A_35, %add3A_44 : vector<32x16xf32>
    %sub3A_46 = arith.subf %add3A_45, %add3A : vector<32x16xf32>
    %add3A_47 = vector.broadcast %sub3A_38 : vector<32x1xf32> to vector<32x16xf32>
    %add3A_48 = arith.addf %sub3A_35, %add3A_47 : vector<32x16xf32>
    %broadcast_in_dim3A_49 = arith.constant 0.000000e+00 : f32
    %broadcast_in_dim3A_50 = vector.broadcast %broadcast_in_dim3A_49 : f32 to vector<32x64xf32>
    %concatenate3A = tpu.concatenate %sub3A_41, %add3A_43, %sub3A_46, %add3A_48, %broadcast_in_dim3A_50 in 1 : vector<32x16xf32>, vector<32x16xf32>, vector<32x16xf32>, vector<32x16xf32>, vector<32x64xf32> -> vector<32x128xf32>
    %swap3A = arith.constant 0 : index
    %swap3A_51 = arith.constant 0 : index
    %swap3A_52 = vector.load %arg4[%swap3A, %swap3A_51] : memref<32x128xf32, #tpu.memory_space<vmem>>, vector<32x128xf32>
    tpu.vector_store %arg4[%swap3A, %swap3A_51], %concatenate3A {strides = array<i32>} : memref<32x128xf32, #tpu.memory_space<vmem>>, vector<32x128xf32>,
    %bitcast_convert_type3A = tpu.bitcast %get3A_2 : vector<32x16x2048xf32> -> vector<32x16x2048xi32>
    %slice3A_53 = vector.extract_strided_slice %bitcast_convert_type3A {offsets = [0, 0, 1024], sizes = [32, 16, 1024], strides = [1, 1, 1]} : vector<32x16x2048xi32> to vector<32x16x1024xi32>
    %add3A_54 = arith.constant 32768 : i32
    %add3A_55 = vector.broadcast %add3A_54 : i32 to vector<32x16x1024xi32>
    %add3A_56 = arith.addi %slice3A_53, %add3A_55 : vector<32x16x1024xi32>
    %and3A = arith.constant -65536 : i32
    %and3A_57 = vector.broadcast %and3A : i32 to vector<32x16x1024xi32>
    %and3A_58 = arith.andi %add3A_56, %and3A_57 : vector<32x16x1024xi32>
    %slice3A_59 = vector.extract_strided_slice %bitcast_convert_type3A {offsets = [0, 0, 0], sizes = [32, 16, 1024], strides = [1, 1, 1]} : vector<32x16x2048xi32> to vector<32x16x1024xi32>
    %add3A_60 = arith.constant 32768 : i32
    %add3A_61 = vector.broadcast %add3A_60 : i32 to vector<32x16x1024xi32>
    %add3A_62 = arith.addi %slice3A_59, %add3A_61 : vector<32x16x1024xi32>
    %shift_right_arithmetic3A = arith.constant 16 : i32
    %shift_right_arithmetic3A_63 = vector.broadcast %shift_right_arithmetic3A : i32 to vector<32x16x1024xi32>
    %shift_right_arithmetic3A_64 = arith.shrsi %add3A_62, %shift_right_arithmetic3A_63 : vector<32x16x1024xi32>
    %and3A_65 = arith.constant 65535 : i32
    %and3A_66 = vector.broadcast %and3A_65 : i32 to vector<32x16x1024xi32>
    %and3A_67 = arith.andi %shift_right_arithmetic3A_64, %and3A_66 : vector<32x16x1024xi32>
    %or3A = arith.ori %and3A_58, %and3A_67 : vector<32x16x1024xi32>
    %reshape3A = vector.shape_cast %or3A : vector<32x16x1024xi32> to vector<512x1024xi32>
    %slice3A_68 = vector.extract_strided_slice %reshape3A {offsets = [0, 0], sizes = [512, 128], strides = [1, 1]} : vector<512x1024xi32> to vector<512x128xi32>
    %reshape3A_69 = vector.shape_cast %slice3A_68 : vector<512x128xi32> to vector<64x8x128xi32>
    %swap3A_70 = arith.constant 0 : index
    %swap3A_71 = arith.constant 0 : index
    %swap3A_72 = arith.constant 0 : index
    %swap3A_73 = arith.constant 0 : index
    %swap3A_74 = vector.load %arg5[%swap3A_70, %swap3A_71, %swap3A_72, %swap3A_73] : memref<64x8x8x128xi32, #tpu.memory_space<vmem>>, vector<64x1x8x128xi32>
    %swap3A_75 = vector.shape_cast %swap3A_74 : vector<64x1x8x128xi32> to vector<64x8x128xi32>
    %swap3A_76 = vector.shape_cast %reshape3A_69 : vector<64x8x128xi32> to vector<64x1x8x128xi32>
    tpu.vector_store %arg5[%swap3A_70, %swap3A_71, %swap3A_72, %swap3A_73], %swap3A_76 {strides = array<i32>} : memref<64x8x8x128xi32, #tpu.memory_space<vmem>>, vector<64x1x8x128xi32>,
    %slice3A_77 = vector.extract_strided_slice %reshape3A {offsets = [0, 128], sizes = [512, 128], strides = [1, 1]} : vector<512x1024xi32> to vector<512x128xi32>
    %reshape3A_78 = vector.shape_cast %slice3A_77 : vector<512x128xi32> to vector<64x8x128xi32>
    %swap3A_79 = arith.constant 0 : index
    %swap3A_80 = arith.constant 1 : index
    %swap3A_81 = arith.constant 0 : index
    %swap3A_82 = arith.constant 0 : index
    %swap3A_83 = vector.load %arg5[%swap3A_79, %swap3A_80, %swap3A_81, %swap3A_82] : memref<64x8x8x128xi32, #tpu.memory_space<vmem>>, vector<64x1x8x128xi32>
    %swap3A_84 = vector.shape_cast %swap3A_83 : vector<64x1x8x128xi32> to vector<64x8x128xi32>
    %swap3A_85 = vector.shape_cast %reshape3A_78 : vector<64x8x128xi32> to vector<64x1x8x128xi32>
    tpu.vector_store %arg5[%swap3A_79, %swap3A_80, %swap3A_81, %swap3A_82], %swap3A_85 {strides = array<i32>} : memref<64x8x8x128xi32, #tpu.memory_space<vmem>>, vector<64x1x8x128xi32>,
    %slice3A_86 = vector.extract_strided_slice %reshape3A {offsets = [0, 256], sizes = [512, 128], strides = [1, 1]} : vector<512x1024xi32> to vector<512x128xi32>
    %reshape3A_87 = vector.shape_cast %slice3A_86 : vector<512x128xi32> to vector<64x8x128xi32>
    %swap3A_88 = arith.constant 0 : index
    %swap3A_89 = arith.constant 2 : index
    %swap3A_90 = arith.constant 0 : index
    %swap3A_91 = arith.constant 0 : index
    %swap3A_92 = vector.load %arg5[%swap3A_88, %swap3A_89, %swap3A_90, %swap3A_91] : memref<64x8x8x128xi32, #tpu.memory_space<vmem>>, vector<64x1x8x128xi32>
    %swap3A_93 = vector.shape_cast %swap3A_92 : vector<64x1x8x128xi32> to vector<64x8x128xi32>
    %swap3A_94 = vector.shape_cast %reshape3A_87 : vector<64x8x128xi32> to vector<64x1x8x128xi32>
    tpu.vector_store %arg5[%swap3A_88, %swap3A_89, %swap3A_90, %swap3A_91], %swap3A_94 {strides = array<i32>} : memref<64x8x8x128xi32, #tpu.memory_space<vmem>>, vector<64x1x8x128xi32>,
    %slice3A_95 = vector.extract_strided_slice %reshape3A {offsets = [0, 384], sizes = [512, 128], strides = [1, 1]} : vector<512x1024xi32> to vector<512x128xi32>
    %reshape3A_96 = vector.shape_cast %slice3A_95 : vector<512x128xi32> to vector<64x8x128xi32>
    %swap3A_97 = arith.constant 0 : index
    %swap3A_98 = arith.constant 3 : index
    %swap3A_99 = arith.constant 0 : index
    %swap3A_100 = arith.constant 0 : index
    %swap3A_101 = vector.load %arg5[%swap3A_97, %swap3A_98, %swap3A_99, %swap3A_100] : memref<64x8x8x128xi32, #tpu.memory_space<vmem>>, vector<64x1x8x128xi32>
    %swap3A_102 = vector.shape_cast %swap3A_101 : vector<64x1x8x128xi32> to vector<64x8x128xi32>
    %swap3A_103 = vector.shape_cast %reshape3A_96 : vector<64x8x128xi32> to vector<64x1x8x128xi32>
    tpu.vector_store %arg5[%swap3A_97, %swap3A_98, %swap3A_99, %swap3A_100], %swap3A_103 {strides = array<i32>} : memref<64x8x8x128xi32, #tpu.memory_space<vmem>>, vector<64x1x8x128xi32>,
    %slice3A_104 = vector.extract_strided_slice %reshape3A {offsets = [0, 512], sizes = [512, 128], strides = [1, 1]} : vector<512x1024xi32> to vector<512x128xi32>
    %reshape3A_105 = vector.shape_cast %slice3A_104 : vector<512x128xi32> to vector<64x8x128xi32>
    %swap3A_106 = arith.constant 0 : index
    %swap3A_107 = arith.constant 4 : index
    %swap3A_108 = arith.constant 0 : index
    %swap3A_109 = arith.constant 0 : index
    %swap3A_110 = vector.load %arg5[%swap3A_106, %swap3A_107, %swap3A_108, %swap3A_109] : memref<64x8x8x128xi32, #tpu.memory_space<vmem>>, vector<64x1x8x128xi32>
    %swap3A_111 = vector.shape_cast %swap3A_110 : vector<64x1x8x128xi32> to vector<64x8x128xi32>
    %swap3A_112 = vector.shape_cast %reshape3A_105 : vector<64x8x128xi32> to vector<64x1x8x128xi32>
    tpu.vector_store %arg5[%swap3A_106, %swap3A_107, %swap3A_108, %swap3A_109], %swap3A_112 {strides = array<i32>} : memref<64x8x8x128xi32, #tpu.memory_space<vmem>>, vector<64x1x8x128xi32>,
    %slice3A_113 = vector.extract_strided_slice %reshape3A {offsets = [0, 640], sizes = [512, 128], strides = [1, 1]} : vector<512x1024xi32> to vector<512x128xi32>
    %reshape3A_114 = vector.shape_cast %slice3A_113 : vector<512x128xi32> to vector<64x8x128xi32>
    %swap3A_115 = arith.constant 0 : index
    %swap3A_116 = arith.constant 5 : index
    %swap3A_117 = arith.constant 0 : index
    %swap3A_118 = arith.constant 0 : index
    %swap3A_119 = vector.load %arg5[%swap3A_115, %swap3A_116, %swap3A_117, %swap3A_118] : memref<64x8x8x128xi32, #tpu.memory_space<vmem>>, vector<64x1x8x128xi32>
    %swap3A_120 = vector.shape_cast %swap3A_119 : vector<64x1x8x128xi32> to vector<64x8x128xi32>
    %swap3A_121 = vector.shape_cast %reshape3A_114 : vector<64x8x128xi32> to vector<64x1x8x128xi32>
    tpu.vector_store %arg5[%swap3A_115, %swap3A_116, %swap3A_117, %swap3A_118], %swap3A_121 {strides = array<i32>} : memref<64x8x8x128xi32, #tpu.memory_space<vmem>>, vector<64x1x8x128xi32>,
    %slice3A_122 = vector.extract_strided_slice %reshape3A {offsets = [0, 768], sizes = [512, 128], strides = [1, 1]} : vector<512x1024xi32> to vector<512x128xi32>
    %reshape3A_123 = vector.shape_cast %slice3A_122 : vector<512x128xi32> to vector<64x8x128xi32>
    %swap3A_124 = arith.constant 0 : index
    %swap3A_125 = arith.constant 6 : index
    %swap3A_126 = arith.constant 0 : index
    %swap3A_127 = arith.constant 0 : index
    %swap3A_128 = vector.load %arg5[%swap3A_124, %swap3A_125, %swap3A_126, %swap3A_127] : memref<64x8x8x128xi32, #tpu.memory_space<vmem>>, vector<64x1x8x128xi32>
    %swap3A_129 = vector.shape_cast %swap3A_128 : vector<64x1x8x128xi32> to vector<64x8x128xi32>
    %swap3A_130 = vector.shape_cast %reshape3A_123 : vector<64x8x128xi32> to vector<64x1x8x128xi32>
    tpu.vector_store %arg5[%swap3A_124, %swap3A_125, %swap3A_126, %swap3A_127], %swap3A_130 {strides = array<i32>} : memref<64x8x8x128xi32, #tpu.memory_space<vmem>>, vector<64x1x8x128xi32>,
    %slice3A_131 = vector.extract_strided_slice %reshape3A {offsets = [0, 896], sizes = [512, 128], strides = [1, 1]} : vector<512x1024xi32> to vector<512x128xi32>
    %reshape3A_132 = vector.shape_cast %slice3A_131 : vector<512x128xi32> to vector<64x8x128xi32>
    %swap3A_133 = arith.constant 0 : index
    %swap3A_134 = arith.constant 7 : index
    %swap3A_135 = arith.constant 0 : index
    %swap3A_136 = arith.constant 0 : index
    %swap3A_137 = vector.load %arg5[%swap3A_133, %swap3A_134, %swap3A_135, %swap3A_136] : memref<64x8x8x128xi32, #tpu.memory_space<vmem>>, vector<64x1x8x128xi32>
    %swap3A_138 = vector.shape_cast %swap3A_137 : vector<64x1x8x128xi32> to vector<64x8x128xi32>
    %swap3A_139 = vector.shape_cast %reshape3A_132 : vector<64x8x128xi32> to vector<64x1x8x128xi32>
    tpu.vector_store %arg5[%swap3A_133, %swap3A_134, %swap3A_135, %swap3A_136], %swap3A_139 {strides = array<i32>} : memref<64x8x8x128xi32, #tpu.memory_space<vmem>>, vector<64x1x8x128xi32>,
    return
  }
  func.func @transform_0(%arg0: i32) -> (i32, i32, i32) {
    %c0_i32 = arith.constant 0 : i32
    %c0_i32_0 = arith.constant 0 : i32
    %c0_i32_1 = arith.constant 0 : i32
    return %arg0, %c0_i32, %c0_i32_0 : i32, i32, i32
  }
  func.func @transform_1(%arg0: i32) -> (i32, i32) {
    %c0_i32 = arith.constant 0 : i32
    %c0_i32_0 = arith.constant 0 : i32
    return %arg0, %c0_i32 : i32, i32
  }
  func.func @transform_2(%arg0: i32) -> (i32, i32) {
    %c0_i32 = arith.constant 0 : i32
    %c0_i32_0 = arith.constant 0 : i32
    return %arg0, %c0_i32 : i32, i32
  }
  func.func @transform_3(%arg0: i32) -> (i32, i32) {
    %c0_i32 = arith.constant 0 : i32
    %c0_i32_0 = arith.constant 0 : i32
    return %arg0, %c0_i32 : i32, i32
  }
  func.func @transform_4(%arg0: i32) -> (i32, i32, i32, i32) {
    %c0_i32 = arith.constant 0 : i32
    %c0_i32_0 = arith.constant 0 : i32
    %c0_i32_1 = arith.constant 0 : i32
    %c0_i32_2 = arith.constant 0 : i32
    return %arg0, %c0_i32, %c0_i32_0, %c0_i32_1 : i32, i32, i32, i32
  }
}

</mosaic_0001>

<sc_bundles>
// kernel: nll_gather_sc.3.cloned.1.call-start
scs
__scs_entry_jumppad:
0x0: {  	(pc) =	sbr.rel $0x88, $3  }
0x1: {  	(tag) =	ssettag $0x0;
	lr =	simm.s32 $0x1  }
0x2: {  	[smem:$0x3F99] =	sst lr;
	_ =	strace $0xD0000000  }
0x3: {  	_ = 	snop  }
0x4: {  	_ = 	snop  }
0x5: {  	_ = 	snop  }
0x6: {  	_ = 	snop  }
0x7: {  	_ = 	snop  }
__scs_overlays_trampoline_lowered:
0x8: {  	[smem:$0x3FA8] =	sst s0  }
0x9: {  	[smem:$0x3FA9] =	sst s1  }
0xa: {  	[smem:$0x3FAA] =	sst s2  }
0xb: {  	[smem:$0x3FAB] =	sst s3  }
0xc: {  	[smem:$0x3FAC] =	sst s4  }
0xd: {  	[smem:$0x3FAD] =	sst s5  }
0xe: {  	[smem:$0x3FAE] =	sst s6  }
0xf: {  	[smem:$0x3FAF] =	sst s7  }
0x10: {  	[smem:$0x3FB0] =	sst s8  }
0x11: {  	[smem:$0x3FB1] =	sst s9;
	s0 =	simm.s32 @!p0 $0x0  }
0x12: {  	s1 =	sld [smem:$0x3F97];
	s0 =	simm.s32 @p0 $0x1  }
0x13: {  	[smem:$0x3FB2] =	sst s0;
	s0 =	simm.s32 @!p1 $0x0  }
0x14: {  	s2 =	sld [smem:$0x3F96];
	s0 =	simm.s32 @p1 $0x1  }
0x15: {  	[smem:$0x3FB3] =	sst s0;
	s0 =	simm.s32 @!p2 $0x0  }
0x16: {  	s3 =	sld [smem:$0x3FDB];
	s0 =	simm.s32 @p2 $0x1  }
0x17: {  	s4 =	simm.s32 $0x1BF5;
	[smem:$0x3FB5] =	sst s0  }
0x18: {  	s0 =	sld [smem:$0x3F98];
	_ =	swait.ge [sflag:s4], $0x0  }
0x19: {  	s7 =	sld [smem:$0x3F99]  }
0x1a: {  	s8 =	sadd.s32 $0xFFFFE003, lr  }
0x1b: {  	s9 =	sadd.s32 $0xFFFFFEF7, lr;
	s5 =	simm.s32 $0xFFFFFFFF;
	p2 =	slt.u32 s8, $0xFFFFF086  }
0x1c: {  	p1 =	slt.u32 s9, $0xF7A;
	s5 =	simm.s32 @!p2 $0x0  }
0x1d: {  	s5 =	simm.s32 @p1 $0x1;
	p0 =	seq.s32 s7, s2  }
0x1e: {  	s7 =	smul.u32 @!p0 $0xF7A, s2;
	p2 =	seq.s32 @!p0 s5, $0x0  }
0x1f: {  	s9 =	smul.u32 $0xF7A, s1;
	s8 =	simm.s32 @!p0 $0x1BF5;
	p2 =	por !p2, p0  }
0x20: {  	[sflag:s8] =	ssyncset.s32 @!p0 $0xFFFFF086;
	s6 =	sadd.s32 @!p0 s3, s7;
	s7 =	simm.s32 @!p0 $0x108  }
0x21: {  	s3 =	sadd.s32 s3, s9;
	s6 =	sadd.s32 @!p0 $0x88, s6;
	s7 =	simm.s32 @p2 $0x1082  }
0x22: {  	[simem:s7], [sflag:s8] =	dma.local @!p0 [hbm:s6], $0xF7A  }
0x23: {  	s9 =	sor.u32 $0xD0000000, s2;
	s6 =	simm.s32 $0x108;
	_ =	swait.ge @!p0 [sflag:s8], $0x0  }
0x24: {  	s3 =	sadd.s32 $0x88, s3;
	s6 =	simm.s32 @!p1 $0x1082;
	[sflag:s4] =	ssyncset.s32 $0xFFFFF086  }
0x25: {  	[simem:s6], [sflag:s4] =	dma.local [hbm:s3], $0xF7A  }
0x26: {  	[smem:$0x3F99] =	sst s1;
	(tag) =	ssettag s2;
	_ =	strace s9  }
0x27: {  	s1 =	sld [smem:$0x3FA9]  }
0x28: {  	s2 =	sld [smem:$0x3FAA]  }
0x29: {  	s4 =	sld [smem:$0x3FAC]  }
0x2a: {  	p0 =	seq.s32 s5, $0x0;
	s5 =	sld [smem:$0x3FAD]  }
0x2b: {  	s6 =	sld [smem:$0x3FAE]  }
0x2c: {  	s7 =	sld [smem:$0x3FAF]  }
0x2d: {  	s3 =	simm.s32 $0x108;
	s8 =	sld [smem:$0x3FB0]  }
0x2e: {  	s3 =	simm.s32 @!p0 $0x1082;
	s9 =	sld [smem:$0x3FB1]  }
0x2f: {  	lr =	sadd.s32 s0, s3;
	s0 =	sld [smem:$0x3FA8]  }
0x30: {  	s3 =	sld [smem:$0x3FAB]  }
0x31: {  	[smem:$0x3FB4] =	sst s10  }
0x32: {  	s10 =	sld [smem:$0x3FB2];
	_ =	sdelay $0x3  }
0x33: {  	p0 =	seq.s32 s10, $0x1;
	s10 =	sld [smem:$0x3FB4];
	_ =	sdelay $0x3  }
0x34: {  	[smem:$0x3FB4] =	sst s10  }
0x35: {  	s10 =	sld [smem:$0x3FB3];
	_ =	sdelay $0x3  }
0x36: {  	p1 =	seq.s32 s10, $0x1;
	s10 =	sld [smem:$0x3FB4];
	_ =	sdelay $0x3  }
0x37: {  	[smem:$0x3FB4] =	sst s10  }
0x38: {  	s10 =	sld [smem:$0x3FB5]  }
0x39: {  	_ = 	snop;
	(pc) =	sbr.ind lr, $3  }
0x3a: {  	_ = 	snop  }
0x3b: {  	_ = 	snop  }
0x3c: {  	p2 =	seq.s32 s10, $0x1;
	s10 =	sld [smem:$0x3FB4]  }
0x3d: {  	_ =	shalt  }
0x3e: {  	_ =	shalt  }
0x3f: {  	_ =	shalt  }
0x40: {  	_ =	shalt  }
0x41: {  	_ =	shalt  }
0x42: {  	_ =	shalt  }
0x43: {  	_ =	shalt  }
0x44: {  	_ =	shalt  }
0x45: {  	_ =	shalt  }
0x46: {  	_ =	shalt  }
0x47: {  	_ =	shalt  }
0x48: {  	_ =	shalt  }
0x49: {  	_ =	shalt  }
0x4a: {  	_ =	shalt  }
0x4b: {  	_ =	shalt  }
0x4c: {  	_ =	shalt  }
0x4d: {  	_ =	shalt  }
0x4e: {  	_ =	shalt  }
0x4f: {  	_ =	shalt  }
0x50: {  	_ =	shalt  }
0x51: {  	_ =	shalt  }
0x52: {  	_ =	shalt  }
0x53: {  	_ =	shalt  }
0x54: {  	_ =	shalt  }
0x55: {  	_ =	shalt  }
0x56: {  	_ =	shalt  }
0x57: {  	_ =	shalt  }
0x58: {  	_ =	shalt  }
0x59: {  	_ =	shalt  }
0x5a: {  	_ =	shalt  }
0x5b: {  	_ =	shalt  }
0x5c: {  	_ =	shalt  }
0x5d: {  	_ =	shalt  }
0x5e: {  	_ =	shalt  }
0x5f: {  	_ =	shalt  }
0x60: {  	_ =	shalt  }
0x61: {  	_ =	shalt  }
0x62: {  	_ =	shalt  }
0x63: {  	_ =	shalt  }
0x64: {  	_ =	shalt  }
0x65: {  	_ =	shalt  }
0x66: {  	_ =	shalt  }
0x67: {  	_ =	shalt  }
0x68: {  	_ =	shalt  }
0x69: {  	_ =	shalt  }
0x6a: {  	_ =	shalt  }
0x6b: {  	_ =	shalt  }
0x6c: {  	_ =	shalt  }
0x6d: {  	_ =	shalt  }
0x6e: {  	_ =	shalt  }
0x6f: {  	_ =	shalt  }
0x70: {  	_ =	shalt  }
0x71: {  	_ =	shalt  }
0x72: {  	_ =	shalt  }
0x73: {  	_ =	shalt  }
0x74: {  	_ =	shalt  }
0x75: {  	_ =	shalt  }
0x76: {  	_ =	shalt  }
0x77: {  	_ =	shalt  }
0x78: {  	_ =	shalt  }
0x79: {  	_ =	shalt  }
0x7a: {  	_ =	shalt  }
0x7b: {  	_ =	shalt  }
0x7c: {  	_ =	shalt  }
0x7d: {  	_ =	shalt  }
0x7e: {  	_ =	shalt  }
0x7f: {  	_ =	shalt  }
0x80: {  	_ =	shalt  }
0x81: {  	_ =	shalt  }
0x82: {  	_ =	shalt  }
0x83: {  	_ =	shalt  }
0x84: {  	_ =	shalt  }
0x85: {  	_ =	shalt  }
0x86: {  	_ =	shalt  }
0x87: {  	_ =	shalt  }
.Lfunc_end0:
.L_simem_size_0:
called_computation_lowered:
.L_overlay_start_0:
0x88: {  	s2 =	sld [smem:$0x3FD9]  }
0x89: {  	s3 =	sld [smem:$0x3FFE];
	_ =	sdelay $0x1  }
0x8a: {  	s1 =	srdreg.scid  }
0x8b: {  	s0 =	sand.u32 $0x1, s1  }
0x8c: {  	s17 =	sshll.u32 s0, $0xA;
	s2 =	sadd.s32 s3, s2  }
0x8d: {  	s2 =	sadd.s32 s2, s17  }
0x8e: {  	[smem:$0x3FC0] =	sst s2  }
0x8f: {  	_ = 	snop  }
0x90: {  	s2 =	sld [smem:$0x3FC6]  }
0x91: {  	s18 =	sld [smem:$0x3FC5]  }
0x92: {  	s4 =	sld [smem:$0x3FC4]  }
0x93: {  	s5 =	sld [smem:$0x3FC3]  }
0x94: {  	s6 =	sld [smem:$0x3FC2];
	(tm) =	ssettm $0x1  }
0x95: {  	s7 =	sld [smem:$0x3FFB];
	_ =	sdelay $0x3  }
0x96: {  	_ =	strace s7  }
0x97: {  	s7 =	sld [smem:$0x3FFC];
	_ =	sdelay $0x3  }
0x98: {  	_ =	strace s7  }
0x99: {  	s7 =	sld [smem:$0x3FFD];
	_ =	sdelay $0x3  }
0x9a: {  	_ =	strace s7  }
0x9b: {  	_ =	strace $0x8FFFFFFF  }
0x9c: {  	s19 =	sld [smem:$0x3FDB];
	_ =	sdelay $0x1  }
0x9d: {  	s8 =	simm.s32 $_scs_section_size  }
0x9e: {  	s9 =	simm.s32 $_size__tile_overlayer_lowered;
	s10 =	simm.s32 $_tile_overlayer_lowered  }
0x9f: {  	s22 =	simm.s32 $0x1BFF;
	s21 =	sshll.u32 s10, $0x1;
	s7 =	sadd.s32 s8, s19  }
0xa0: {  	s11 =	simm.s32 $0x0;
	s20 =	sshll.u32 s9, $0x1;
	s9 =	sadd.s32 s21, s7  }
0xa1: {  	[timem:s11], [sflag:s22] =	dma.local [hbm:s9], s20  }
0xa2: {  	_ =	swait.ge [sflag:s22], s20  }
0xa3: {  	s8 =	ssub.s32 $0x0, s20;
	[sflag:s22] =	ssyncset.done $0x0  }
0xa4: {  	[sflag:s22] =	ssyncadd.s32 s8;
	_ =	sdelay $0x1  }
0xa5: {  	s23 =	simm.s32 $0x1B8B  }
0xa6: {  	_ =	swait.ge [sflag:s23], $0x1  }
0xa7: {  	[sflag:s23] =	ssyncset.done $0x0  }
0xa8: {  	s25 =	simm.s32 $0x1B8E;
	s24 =	sld [smem:$0x3FFE];
	[sflag:s23] =	ssyncadd.s32 $0xFFFFFFFF  }
0xa9: {  	s26 =	simm.s32 $execute0_lowered;
	[smem:$0x3FD2] =	sst s25  }
0xaa: {  	s9 =	sshll.u32 s26, $0x1;
	_ =	strace $0x80000046;
	[dreg:$0x1] =	wrdreg $0xFFFFFFFF  }
0xab: {  	s28 =	simm.s32 $_size_execute0_lowered;
	s7 =	sadd.s32 s7, s9;
	[dreg:$0x0] =	wrdreg $0x0  }
0xac: {  	s9 =	sshll.u32 s28, $0x1;
	[dreg:$0x2] =	wrdreg s7  }
0xad: {  	[dreg:$0x3] =	wrdreg s9  }
0xae: {  	[dreg:$0x4] =	wrdreg $0xC0  }
0xaf: {  	_ =	task [dreg:s11], $0x5FFFF  }
0xb0: {  	[dreg:$0x1] =	wrdreg $0xFFFFFFFF  }
0xb1: {  	[dreg:$0x0] =	wrdreg $0x60  }
0xb2: {  	[dreg:$0x2] =	wrdreg s24  }
0xb3: {  	[dreg:$0x3] =	wrdreg s2  }
0xb4: {  	[dreg:$0x4] =	wrdreg s18  }
0xb5: {  	[dreg:$0x5] =	wrdreg s4  }
0xb6: {  	[dreg:$0x6] =	wrdreg s5  }
0xb7: {  	[dreg:$0x7] =	wrdreg s6  }
0xb8: {  	[dreg:$0x8] =	wrdreg $0x9  }
0xb9: {  	_ =	task.clear_ibuf [dreg:s11], $0x9FFFF;
	_ =	strace $0x90000046  }
0xba: {  	s29 =	simm.s32 $0x9;
	_ =	strace $0x80000048  }
0xbb: {  	_ =	swait.ge [sflag:s29], $0x1  }
0xbc: {  	[sflag:s29] =	ssyncadd.s32 $0xFFFFFFFF  }
0xbd: {  	_ =	strace $0x90000048  }
0xbe: {  	_ =	sfence  }
0xbf: {  	s30 =	sld [smem:$0x0];
	_ =	sdelay $0x2  }
0xc0: {  	s31 =	sshll.u32 s1, $0xD;
	s1 =	sshrl.u32 s1, $0x2  }
0xc1: {  	s3 =	sand.u32 $0x4000, s31;
	s1 =	sadd.s32 s1, s30  }
0xc2: {  	s0 =	sor.u32 s3, s0;
	s1 =	sshll.u32 s1, $0x11  }
0xc3: {  	s0 =	sor.u32 s1, s0  }
0xc4: {  	s0 =	sadd.s32 $0x8F2B, s0  }
0xc5: {  	[sflag:s0] =	ssyncadd.remote.s32 $0x1  }
0xc6: {  	_ =	sfence.sel $0xFFFF  }
0xc7: {  	[dreg:$0x0] =	wrdreg $0xFFFFFFFF;
	(pc) =	sbr.abs _section_cstart, $3  }
0xc8: {  	[dreg:$0x1] =	wrdreg $0xFFFFFFFF  }
0xc9: {  	_ =	task.clear_ibuf [dreg:s11], $0x2FFFF;
	_ =	strace $0x9FFFFFFF  }
0xca: {  	(tm) =	ssettm $0x7FFFFFFF  }
0xcb: {  	_ =	shalt  }
tec
execute0_lowered:
.L_overlay_start_1:
0x0: {  	(tag) =	ssettag $0x1  }
0x1: {  	s5 =	rddreg [dreg:$0x0]  }
0x2: {  	s6 =	rddreg [dreg:$0x1]  }
0x3: {  	s7 =	rddreg [dreg:$0x2]  }
0x4: {  	s8 =	rddreg [dreg:$0x3]  }
0x5: {  	s9 =	rddreg [dreg:$0x4]  }
0x6: {  	s10 =	rddreg [dreg:$0x5]  }
0x7: {  	s0 =	rddreg [dreg:$0x6]  }
0x8: {  	s2 =	simm.s32 $0x0;
	s3 =	srdreg.scid;
	s1 =	stileid.u32  }
0x9: {  	s14 =	simm.s32 $0x3200;
	s15 =	simm.s32 $0x4B00;
	s16 =	simm.s32 $0x6400  }
0xa: {  	s17 =	simm.s32 $0x80;
	s18 =	simm.s32 $0x1;
	s19 =	simm.s32 $0x2  }
0xb: {  	s20 =	simm.s32 $0xE100;
	s21 =	simm.s32 $0x0;
	[smem:$0x7FF] =	sst s2  }
0xc: {  	s4 =	sand.u32 $0x1, s3;
	s11 =	sshll.u32 s1, $0x1;
	s3 =	sadd.s32 $0x400400, s5  }
0xd: {  	_ =	strace $0x80000047;
	s11 =	sor.u32 s4, s11;
	s13 =	ssub.s32 $0x2, s4  }
0xe: {  	s12 =	sshll.u32 s11, $0x4;
	s11 =	smul.u32 $0x320, s11;
	s31 =	sshrl.u32 s13, $0x1  }
0xf: {  	s4 =	sadd.s32 $0x400, s5;
	s12 =	sadd.s32 s12, s5;
	s13 =	ssub.s32 s13, s31  }
0x10: {  	s5 =	sadd.s32 s6, s11;
	s6 =	sadd.s32 s7, s11;
	s7 =	sadd.s32 s8, s11  }
0x11: {  	s8 =	sadd.s32 s9, s11;
	s9 =	sadd.s32 s10, s11;
	s10 =	sadd.s32 $0x408400, s12  }
0x12: {  	s11 =	smax.u32 s13, $0x1;
	s12 =	simm.s32 $0x3;
	s13 =	simm.s32 $0x1900  }
.LBB2_1:
0x13: {  	[tilespmem:s2], [sflag:$0x3] =	stream.linear.gather [hbm4b:s5+s2], $0x1900, $0x38;
	[tilespmem:$0xE180] =	vst v63  }
0x14: {  	_ =	swait.ge [sflag:s12], $0x1900  }
0x15: {  	[sflag:s12] =	ssyncset.done $0x0  }
0x16: {  	[sflag:s12] =	ssyncadd.s32 $0xFFFFE700  }
0x17: {  	[tilespmem:s13], [sflag:$0x3] =	stream.linear.gather [hbm4b:s6+s2], $0x1900, $0x38;
	[tilespmem:$0xE180] =	vst v63  }
0x18: {  	_ =	swait.ge [sflag:s12], $0x1900  }
0x19: {  	[sflag:s12] =	ssyncset.done $0x0  }
0x1a: {  	[sflag:s12] =	ssyncadd.s32 $0xFFFFE700  }
0x1b: {  	[tilespmem:s14], [sflag:$0x3] =	stream.linear.gather [hbm4b:s7+s2], $0x1900, $0x38;
	[tilespmem:$0xE180] =	vst v63  }
0x1c: {  	_ =	swait.ge [sflag:s12], $0x1900  }
0x1d: {  	[sflag:s12] =	ssyncset.done $0x0  }
0x1e: {  	[sflag:s12] =	ssyncadd.s32 $0xFFFFE700  }
0x1f: {  	[tilespmem:s15], [sflag:$0x3] =	stream.linear.gather [hbm4b:s8+s2], $0x1900, $0x38;
	[tilespmem:$0xE180] =	vst v63  }
0x20: {  	_ =	swait.ge [sflag:s12], $0x1900  }
0x21: {  	[sflag:s12] =	ssyncset.done $0x0  }
0x22: {  	[sflag:s12] =	ssyncadd.s32 $0xFFFFE700  }
0x23: {  	[tilespmem:s16], [sflag:$0x3] =	stream.linear.gather [hbm4b:s9+s2], $0x1900, $0x38;
	[tilespmem:$0xE180] =	vst v63  }
0x24: {  	_ =	swait.ge [sflag:s12], $0x1900  }
0x25: {  	[sflag:s12] =	ssyncset.done $0x0  }
0x26: {  	s22 =	simm.s32 $0x0;
	[sflag:s12] =	ssyncadd.s32 $0xFFFFE700  }
0x27: {  	v0 =	vld [tilespmem:s22+$0x0]  }
0x28: {  	v1 =	vld [tilespmem:s22+$0x1900]  }
0x29: {  	v4 =	vld [tilespmem:s22+$0x3200]  }
0x2a: {  	v5 =	vld [tilespmem:s22+$0x4B00]  }
0x2b: {  	v7 =	vld [tilespmem:s22+$0x6400]  }
0x2c: {  	s23 =	simm.s32 $0x10  }
0x2d: {  	v2 =	vld [tilespmem:s23+$0x0];
	v3 =	vshll.u32 v0, $0x7;
	v6 =	vshll.u32 v0, $0xE;
	v8 =	vshll.u32 v1, $0xA  }
0x2e: {  	v0 =	vld [tilespmem:s23+$0x1900];
	v9 =	vshll.u32 v4, $0x5;
	v4 =	vadd.s32 v6, v8;
	v8 =	vshll.u32 v1, $0x7  }
0x2f: {  	v10 =	vshll.u32 v5, $0x4;
	v6 =	vld [tilespmem:s23+$0x3200];
	v5 =	vand.u32 $0xFFFFE000, v4;
	v8 =	vand.u32 $0x380, v8  }
0x30: {  	v11 =	vshll.u32 v7, $0x3;
	v12 =	vand.u32 $0x7F, v7;
	v4 =	vld [tilespmem:s23+$0x4B00];
	v13 =	vor.u32 v8, v5  }
0x31: {  	s24 =	simm.s32 $0x80;
	v7 =	vand.u32 $0x1C00, v11;
	v5 =	vld [tilespmem:s23+$0x6400];
	v8 =	vadd.s32 v9, v10;
	v9 =	vor.u32 v12, v13  }
.LBB2_2:
0x32: {  	s25 =	sshra.s32 s24, $0x2;
	v8 =	vor.u32 v8, v3;
	v3 =	vshll.u32 v2, $0x7;
	v7 =	vor.u32 v7, v9;
	p0 =	sne.s32 s24, $0x63C0  }
.Ltmp0:
0x33: {  	s24 =	sadd.s32 $0x40, s24;
	v9 =	vshll.u32 v2, $0xE;
	v2 =	vld [tilespmem:s25+$0x0];
	v10 =	vshll.u32 v0, $0xA;
	v8 =	vor.u32 v1, v8;
	[tilespmem:s22+$0x9600] =	vst v7;
	v1 =	vmovc v0;
	(pc) =	sbr.rel @p0 .LBB2_2-.Ltmp0, $4  }
0x34: {  	v0 =	vld [tilespmem:s25+$0x1900];
	v7 =	vshll.u32 v6, $0x5;
	v9 =	vadd.s32 v9, v10;
	v10 =	vshll.u32 v1, $0x7;
	[tilespmem:s22+$0x7D00] =	vst v8;
	s22 =	smov.u32 s23;
	s23 =	smov.u32 s25  }
0x35: {  	v6 =	vld [tilespmem:s23+$0x3200];
	v8 =	vshll.u32 v4, $0x4;
	v9 =	vand.u32 $0xFFFFE000, v9;
	v10 =	vand.u32 $0x380, v10  }
0x36: {  	v4 =	vld [tilespmem:s23+$0x4B00];
	v11 =	vshll.u32 v5, $0x3;
	v12 =	vand.u32 $0x7F, v5;
	v9 =	vor.u32 v10, v9  }
0x37: {  	v8 =	vadd.s32 v7, v8;
	v5 =	vld [tilespmem:s23+$0x6400];
	v7 =	vand.u32 $0x1C00, v11;
	v9 =	vor.u32 v12, v9  }
0x38: {  	v10 =	vshll.u32 v2, $0x7;
	v3 =	vor.u32 v8, v3;
	v7 =	vor.u32 v7, v9  }
0x39: {  	v55 =	vshll.u32 v2, $0xE;
	v56 =	vshll.u32 v0, $0xA;
	v1 =	vor.u32 v1, v3  }
0x3a: {  	v58 =	vshll.u32 v0, $0x7;
	v57 =	vshll.u32 v6, $0x5;
	v2 =	vadd.s32 v55, v56  }
0x3b: {  	v6 =	vand.u32 $0x380, v58;
	v4 =	vshll.u32 v4, $0x4;
	v2 =	vand.u32 $0xFFFFE000, v2  }
0x3c: {  	v59 =	vshll.u32 v5, $0x3;
	v60 =	vand.u32 $0x7F, v5;
	v2 =	vor.u32 v6, v2  }
0x3d: {  	[tilespmem:s22+$0x9600] =	vst v7;
	v3 =	vadd.s32 v57, v4;
	v61 =	vand.u32 $0x1C00, v59;
	v2 =	vor.u32 v60, v2  }
0x3e: {  	[tilespmem:s22+$0x7D00] =	vst v1;
	v62 =	vor.u32 v3, v10;
	v2 =	vor.u32 v61, v2  }
0x3f: {  	s30 =	simm.s32 $0xAF00;
	s31 =	simm.s32 $0x7D00;
	v63 =	vor.u32 v0, v62;
	[tilespmem:s23+$0x9600] =	vst v2  }
0x40: {  	s24 =	simm.s32 $0x9600;
	s22 =	simm.s32 $0x200;
	[tilespmem:s23+$0x7D00] =	vst v63;
	s23 =	simm.s32 $0xC800  }
0x41: {  	[tilespmem:s30], [sflag:$0x1] =	stream.indirect.gather [hbm4b:s3+s17], $0x1, s31, s17, $0xb8;
	[tilespmem:$0xE180] =	vst v63  }
.LBB2_4:
0x42: {  	[tilespmem:s23], [sflag:$0x2] =	stream.indirect.gather [hbm4b:s4+s17], $0x1, s24, s17, $0xb8;
	[tilespmem:$0xE180] =	vst v63  }
0x43: {  	s23 =	smov.u32 s22;
	p0 =	sne.s32 s22, $0x6200  }
.Ltmp1:
0x44: {  	s22 =	sadd.s32 $0x200, s22;
	(pc) =	sbr.rel @p0 .LBB2_4-.Ltmp1, $4  }
0x45: {  	s24 =	sshra.s32 s23, $0x2  }
0x46: {  	s23 =	sadd.s32 $0xAF00, s24;
	s25 =	sadd.s32 $0x7D00, s24  }
0x47: {  	[tilespmem:s23], [sflag:$0x1] =	stream.indirect.gather [hbm4b:s3+s17], $0x1, s25, s17, $0xb8;
	[tilespmem:$0xE180] =	vst v63  }
0x48: {  	s23 =	sadd.s32 $0xC800, s24;
	s24 =	sadd.s32 $0x9600, s24  }
0x49: {  	[tilespmem:s23], [sflag:$0x2] =	stream.indirect.gather [hbm4b:s4+s17], $0x1, s24, s17, $0xb8;
	[tilespmem:$0xE180] =	vst v63  }
0x4a: {  	_ =	swait.ge [sflag:s18], $0x1900  }
0x4b: {  	[sflag:s18] =	ssyncset.done $0x0  }
0x4c: {  	[sflag:s18] =	ssyncadd.s32 $0xFFFFE700  }
0x4d: {  	_ =	swait.ge [sflag:s19], $0x1900  }
0x4e: {  	[sflag:s19] =	ssyncset.done $0x0  }
0x4f: {  	s31 =	simm.s32 $0x0;
	[sflag:s19] =	ssyncadd.s32 $0xFFFFE700  }
0x50: {  	v0 =	vld [tilespmem:s31+$0x4B00]  }
0x51: {  	v1 =	vld [tilespmem:s31+$0x6400]  }
0x52: {  	v2 =	vld [tilespmem:s31+$0xC800]  }
0x53: {  	v3 =	vld [tilespmem:s31+$0xAF00]  }
0x54: {  	v4 =	vimm.f32 $0.0e+00;
	s22 =	simm.s32 $0x40  }
.LBB2_6:
0x55: {  	s23 =	sshra.s32 s22, $0x2;
	v5 =	vmov v0;
	p0 =	sne.s32 s22, $0x63C0  }
.Ltmp2:
0x56: {  	v0 =	vld [tilespmem:s23+$0x4B00];
	(pc) =	sbr.rel @p0 .LBB2_6-.Ltmp2, $4  }
0x57: {  	s22 =	sadd.s32 $0x40, s22;
	vm0 =	vlt.u32 v1, $0x400;
	v1 =	vld [tilespmem:s23+$0x6400];
	v6 =	vshll.u32 v2, $0x10;
	v7 =	vand.u32 $0xFFFF0000, v2  }
0x58: {  	v2 =	vld [tilespmem:s23+$0xC800];
	v6 =	vsel vm0, v6, v7;
	v4 =	vadd.f32 v3, v4;
	vm0 =	veq.s32 v5, $0x0  }
0x59: {  	v3 =	vld [tilespmem:s23+$0xAF00];
	v5 =	vnsel vm0, $0x0, v6  }
0x5a: {  	v4 =	vadd.f32 v5, v4  }
0x5b: {  	_ =	sdelay $0x1  }
0x5c: {  	vm0 =	vlt.u32 v1, $0x400;
	v61 =	vshll.u32 v2, $0x10;
	v62 =	vand.u32 $0xFFFF0000, v2  }
0x5d: {  	vm15 =	veq.s32 v0, $0x0;
	v1 =	vsel vm0, v61, v62;
	v63 =	vadd.f32 v3, v4  }
0x5e: {  	v0 =	vnsel vm15, $0x0, v1  }
0x5f: {  	s21 =	sadd.s32 $0x1, s21;
	v0 =	vadd.f32 v0, v63  }
0x60: {  	p0 =	sne.s32 s21, s11  }
.Ltmp3:
0x61: {  	[tilespmem:$0xE100] =	vst v0;
	(pc) =	sbr.rel @p0 .LBB2_1-.Ltmp3, $4  }
0x62: {  	[hbm4b:s10+s2] =	stream.linear.scatter [tilespmem:s20], [sflag:$0x3], $0x80, $0x38;
	[tilespmem:$0xE180] =	vst v63  }
0x63: {  	_ =	swait.ge [sflag:s12], $0x80  }
0x64: {  	[sflag:s12] =	ssyncset.done $0x0  }
0x65: {  	[sflag:s12] =	ssyncadd.s32 $0xFFFFFF80  }
0x66: {  	_ =	sfence.sel $0x180000  }
0x67: {  	[bflag:$0x0] =	sbarrier.arrive $0xFFFF  }
0x68: {  	p0 =	sne.s32 s1, $0x0;
	_ =	strace $0x90000047  }
0x69: {  	s0 =	sadd.s32 @!p0 $0x100000, s0;
	[bflag:$0x2] =	sbarrier.arrive $0xFFFF  }
0x6a: {  	[sflag:s0] =	ssyncadd.tile.s32 @!p0 $0x1;
	_ =	shalt  }
.Lfunc_end2:
_tile_overlayer_lowered:
.L_overlay_start_2:
0x6b: {  	(tag) =	ssettag $0x2  }
0x6c: {  	s0 =	rddreg [dreg:$0x0];
	s2 =	stileid.u32  }
0x6d: {  	s1 =	rddreg [dreg:$0x1];
	p0 =	sne.s32 s2, $0x0  }
0x6e: {  	s3 =	rddreg [dreg:$0x2];
	[bflag:$0x3] =	sbarrier.arrive $0xFFFF;
	s2 =	simm.s32 @!p0 $0x1C03  }
0x6f: {  	[timem:s3], [sflag:s2] =	dma.local @!p0 [hbm:s0], s1  }
0x70: {  	s0 =	simm.s32 @!p0 $0x3  }
0x71: {  	_ =	swait.ge @!p0 [sflag:s0], s1  }
0x72: {  	s1 =	ssub.s32 @!p0 $0x0, s1;
	[sflag:s0] =	ssyncset.done @!p0 $0x0  }
0x73: {  	[sflag:s0] =	ssyncadd.s32 @!p0 s1  }
0x74: {  	[bflag:$0x3] =	sbarrier.arrive $0xFFFF  }
0x75: {  	_ =	shalt  }

</sc_bundles>
